<compile_context>
chip_gen: v7x
topology: tpu7x:2x2x1
jax: 0.10.2.dev20260603
libtpu: 0.0.44.dev20260713+nightly
codegen_flags: <defaults>
</compile_context>

<pallas_src>
import functools

import jax
import jax.numpy as jnp
from jax import lax
from jax.experimental import pallas as pl
from jax.experimental.pallas import tpu as pltpu
from jax.experimental.pallas import tpu_sc as plsc

BATCH = 1024
BRANCH = 16
NUM_INTERNAL = 273
NUM_EDGES = NUM_INTERNAL * BRANCH
L = 16
NC, NS = 2, 16
NW = NC * NS
BPW = BATCH // NW
ROWS_PW = 3 * BPW


def _sc_gather(scores_flat, target):
    mesh = plsc.VectorSubcoreMesh(core_axis_name="c", subcore_axis_name="s")

    @functools.partial(
        pl.kernel,
        mesh=mesh,
        compiler_params=pltpu.CompilerParams(use_tc_tiling_on_sc=False),
        out_type=(
            jax.ShapeDtypeStruct((NW, ROWS_PW, L), jnp.float32),
            jax.ShapeDtypeStruct((NW, ROWS_PW), jnp.int32),
        ),
        scratch_types=[
            pltpu.VMEM((BPW,), jnp.int32),
            pltpu.VMEM((ROWS_PW,), jnp.int32),
            pltpu.VMEM((ROWS_PW, L), jnp.float32),
            pltpu.VMEM((ROWS_PW,), jnp.int32),
            pltpu.SemaphoreType.DMA,
        ],
    )
    def k(scores_hbm, tgt_hbm, groups_hbm, pos_hbm, tgt_v, idx_v, rows_v,
          pos_v, sem):
        wid = lax.axis_index("s") * NC + lax.axis_index("c")
        base = wid * BPW
        pltpu.sync_copy(tgt_hbm.at[pl.ds(base, BPW)], tgt_v)
        lanes = lax.iota(jnp.int32, L)
        for i in range(BPW // L):
            t = tgt_v[pl.ds(i * L, L)]
            b_abs = base + i * L + lanes
            row_base = b_abs * NUM_INTERNAL
            idx_v[pl.ds(0 * BPW + i * L, L)] = row_base + 17 + (t >> 4)
            idx_v[pl.ds(1 * BPW + i * L, L)] = row_base + 1 + (t >> 8)
            idx_v[pl.ds(2 * BPW + i * L, L)] = row_base
            pos_v[pl.ds(0 * BPW + i * L, L)] = t & 15
            pos_v[pl.ds(1 * BPW + i * L, L)] = (t >> 4) & 15
            pos_v[pl.ds(2 * BPW + i * L, L)] = t >> 8
        pltpu.async_copy(scores_hbm.at[idx_v], rows_v, sem).wait()
        pltpu.sync_copy(rows_v, groups_hbm.at[wid])
        pltpu.sync_copy(pos_v, pos_hbm.at[wid])

    return k(scores_flat, target)


def _tc_body(g_ref, pos_ref, o_ref):
    g = g_ref[...]
    m = jnp.max(g, axis=-1, keepdims=True)
    s = jnp.sum(jnp.exp(g - m), axis=-1, keepdims=True)
    lse_sum = jnp.sum(jnp.log(s) + m)
    lane = lax.broadcasted_iota(jnp.int32, (NW * ROWS_PW, L), 1)
    picked = jnp.where(lane == pos_ref[...], g, 0.0)
    o_ref[0, 0] = (lse_sum - jnp.sum(picked)) * (1.0 / BATCH)


def kernel(scores, target):
    scores_flat = scores.reshape(BATCH * NUM_INTERNAL, L)
    groups, pos = _sc_gather(scores_flat, target)
    out = pl.pallas_call(
        _tc_body,
        out_shape=jax.ShapeDtypeStruct((1, 1), jnp.float32),
        in_specs=[
            pl.BlockSpec(memory_space=pltpu.VMEM),
            pl.BlockSpec(memory_space=pltpu.VMEM),
        ],
        out_specs=pl.BlockSpec(memory_space=pltpu.SMEM),
    )(groups.reshape(NW * ROWS_PW, L), pos.reshape(NW * ROWS_PW, 1))
    return out[0, 0]

# --- scband reference (transcript-rebuilt; emitter-appended) ---
"""Pipeline reference for scband-hier-softmax-nll-80161269612682 (READ-ONLY COPY).

The authoritative reference and input builder live on the scoring server;
editing this copy changes nothing except your own understanding.
"""

import jax, jax.numpy as jnp
import numpy as np

BRANCH = 16
DEPTH = 3
_level_counts = [BRANCH ** d for d in range(DEPTH + 1)]
TOTAL_NODES = int(sum(_level_counts))          # 4369
NUM_INTERNAL = int(sum(_level_counts[:-1]))    # 273
NUM_LEAVES = int(_level_counts[-1])            # 4096
NUM_EDGES = TOTAL_NODES - 1                    # 4368
MAX_CHILDREN = BRANCH
BATCH = 1024


def _build_constants():
    # BFS-ordered complete BRANCH-ary tree: parent(i) = (i-1)//BRANCH.
    parents = np.full(TOTAL_NODES, -1, dtype=np.int64)
    for i in range(1, TOTAL_NODES):
        parents[i] = (i - 1) // BRANCH
    # ancestor_mask with strict=False: anc[a, j] = 1 if a is ancestor-of-or-equal-to j
    anc = np.zeros((TOTAL_NODES, TOTAL_NODES), dtype=np.float32)
    for j in range(TOTAL_NODES):
        a = j
        while a != -1:
            anc[a, j] = 1.0
            a = parents[a]
    anc_ex_root = anc[1:, :]  # SumAncestors(exclude_root=True): shape (N-1, N)
    # flat_index exactly as in HierLogSoftmax.__init__
    cond_num_children = [BRANCH] * NUM_INTERNAL
    row_index = np.concatenate([np.full(n, i, dtype=np.int64) for i, n in enumerate(cond_num_children)])
    col_index = np.concatenate([np.arange(n, dtype=np.int64) for n in cond_num_children])
    flat_index = row_index * MAX_CHILDREN + col_index
    # leaf_subset: in BFS order of a complete tree, leaves are the last NUM_LEAVES node ids
    leaf_order = np.arange(NUM_INTERNAL, TOTAL_NODES, dtype=np.int64)
    return (jnp.asarray(anc_ex_root), jnp.asarray(flat_index, dtype=jnp.int32), jnp.asarray(leaf_order, dtype=jnp.int32))


ANC_EX_ROOT, FLAT_INDEX, LEAF_ORDER = _build_constants()


def setup_inputs(seed: int = 0) -> dict:
    key = jax.random.key(seed)
    k1, k2 = jax.random.split(key)
    scores = jax.random.normal(k1, (BATCH, NUM_EDGES), dtype=jnp.float32)
    target = jax.random.randint(k2, (BATCH,), 0, NUM_LEAVES, dtype=jnp.int32)
    return {"scores": scores, "target": target}


def reference(scores, target):
    # HierLogSoftmax.forward
    flat_shape = scores.shape[:-1] + (NUM_INTERNAL * MAX_CHILDREN,)
    flat = jnp.full(flat_shape, -jnp.inf, dtype=scores.dtype)
    flat = flat.at[:, FLAT_INDEX].set(scores)  # index_copy_ on last dim
    split_shape = scores.shape[:-1] + (NUM_INTERNAL, MAX_CHILDREN)
    child_scores = flat.reshape(split_shape)
    child_log_p = jax.nn.log_softmax(child_scores, axis=-1)
    child_log_p = child_log_p.reshape(flat_shape)
    log_cond_p = jnp.take(child_log_p, FLAT_INDEX, axis=-1)  # index_select
    # SumAncestors (exclude_root): tensordot with (N-1, N) ancestor matrix
    log_prob = jnp.tensordot(log_cond_p, ANC_EX_ROOT, axes=1)  # [B, N]
    # with_leaf_targets=True: select leaf columns
    log_prob = jnp.take(log_prob, LEAF_ORDER, axis=-1)  # [B, NUM_LEAVES]
    nll = -jnp.take_along_axis(log_prob, target[:, None], axis=-1)[:, 0]
    return jnp.mean(nll)

if __name__ == "__main__":
    import jax
    _d = setup_inputs()
    print(jax.jit(kernel)(*tuple(_d.values())))

</pallas_src>

<mosaic_0001>
#map = affine_map<(d0, d1) -> (0, 0)>
#map1 = affine_map<(d0, d1) -> (0)>
#map2 = affine_map<(d0, d1) -> (0, 0, 0)>
module attributes {stable_mosaic.version = 14 : i64} {
  func.func @k(%arg0: i32, %arg1: i32, %arg2: memref<279552x16xf32, #tpu.memory_space<hbm>>, %arg3: memref<1024xi32, #tpu.memory_space<hbm>>, %arg4: memref<32x96x16xf32, #tpu.memory_space<hbm>>, %arg5: memref<32x96xi32, #tpu.memory_space<hbm>>, %arg6: memref<32xi32, #tpu.memory_space<vmem>>, %arg7: memref<96xi32, #tpu.memory_space<vmem>>, %arg8: memref<96x16xf32, #tpu.memory_space<vmem>>, %arg9: memref<96xi32, #tpu.memory_space<vmem>>, %arg10: memref<!tpu.dma_semaphore, #tpu.memory_space<semaphore_mem>>) attributes {dimension_semantics = [#tpu.dimension_semantics<core_parallel>, #tpu.dimension_semantics<subcore_parallel>], iteration_bounds = array<i64: 2, 16>, scalar_prefetch = 0 : i64, scratch_operands = 5 : i64, tpu.core_type = #tpu.core_type<sc_vector_subcore>, window_params = [{transform_indices = #map}, {transform_indices = #map1}, {transform_indices = #map2}, {transform_indices = #map}]} {
    %mul3A = arith.constant 2 : i32
    %mul3A_0 = arith.muli %arg1, %mul3A : i32
    %add3A = arith.addi %mul3A_0, %arg0 : i32
    %mul3A_1 = arith.constant 32 : i32
    %mul3A_2 = arith.muli %add3A, %mul3A_1 : i32
    "tpu.region"() ({
      %run_scoped3A = tpu.sem_alloc : memref<!tpu.dma_semaphore, #tpu.memory_space<semaphore_mem>>
      %dma_start3A_123 = tpu.memref_slice %arg3[%mul3A_2] : memref<1024xi32, #tpu.memory_space<hbm>> -> memref<32xi32, #tpu.memory_space<hbm>>
      %dma_start3A_124 = tpu.memref_slice %arg3[%mul3A_2] : memref<1024xi32, #tpu.memory_space<hbm>> -> memref<32xi32, #tpu.memory_space<hbm>>
      tpu.enqueue_dma source(%dma_start3A_124 : memref<32xi32, #tpu.memory_space<hbm>>) target(%arg6 : memref<32xi32, #tpu.memory_space<vmem>>) target_semaphore(%run_scoped3A : memref<!tpu.dma_semaphore, #tpu.memory_space<semaphore_mem>>)
      %dma_wait3A_125 = tpu.memref_slice %arg3[%mul3A_2] : memref<1024xi32, #tpu.memory_space<hbm>> -> memref<32xi32, #tpu.memory_space<hbm>>
      %dma_wait3A_126 = tpu.memref_slice %arg3[%mul3A_2] : memref<1024xi32, #tpu.memory_space<hbm>> -> memref<32xi32, #tpu.memory_space<hbm>>
      tpu.wait_dma2 semaphore(%run_scoped3A : memref<!tpu.dma_semaphore, #tpu.memory_space<semaphore_mem>>) src(%dma_wait3A_126 : memref<32xi32, #tpu.memory_space<hbm>>) dst(%arg6 : memref<32xi32, #tpu.memory_space<vmem>>)
      tpu.yield
    }) : () -> ()
    %iota3A = tpu.iota {dimensions = array<i32: 0>} : vector<16xi32>
    %get3A = arith.constant 0 : index
    %get3A_3 = tpu.vector_load %arg6[%get3A] {strides = array<i32>} : memref<32xi32, #tpu.memory_space<vmem>>, vector<16xi32>,
    %get3A_4 = vector.shape_cast %get3A_3 : vector<16xi32> to vector<16xi32>
    %add3A_5 = arith.constant 0 : i32
    %add3A_6 = arith.addi %mul3A_2, %add3A_5 : i32
    %add3A_7 = vector.broadcast %add3A_6 : i32 to vector<16xi32>
    %add3A_8 = arith.addi %add3A_7, %iota3A : vector<16xi32>
    %mul3A_9 = arith.constant 273 : i32
    %mul3A_10 = vector.broadcast %mul3A_9 : i32 to vector<16xi32>
    %mul3A_11 = arith.muli %add3A_8, %mul3A_10 : vector<16xi32>
    %add3A_12 = arith.constant 17 : i32
    %add3A_13 = vector.broadcast %add3A_12 : i32 to vector<16xi32>
    %add3A_14 = arith.addi %mul3A_11, %add3A_13 : vector<16xi32>
    %shift_right_arithmetic3A = arith.constant 4 : i32
    %shift_right_arithmetic3A_15 = vector.broadcast %shift_right_arithmetic3A : i32 to vector<16xi32>
    %shift_right_arithmetic3A_16 = arith.shrsi %get3A_4, %shift_right_arithmetic3A_15 : vector<16xi32>
    %add3A_17 = arith.addi %add3A_14, %shift_right_arithmetic3A_16 : vector<16xi32>
    %swap3A = arith.constant 0 : index
    %swap3A_18 = tpu.vector_load %arg7[%swap3A] {strides = array<i32>} : memref<96xi32, #tpu.memory_space<vmem>>, vector<16xi32>,
    %swap3A_19 = vector.shape_cast %swap3A_18 : vector<16xi32> to vector<16xi32>
    %swap3A_20 = vector.shape_cast %add3A_17 : vector<16xi32> to vector<16xi32>
    tpu.vector_store %arg7[%swap3A], %swap3A_20 {strides = array<i32>} : memref<96xi32, #tpu.memory_space<vmem>>, vector<16xi32>,
    %add3A_21 = arith.constant 1 : i32
    %add3A_22 = vector.broadcast %add3A_21 : i32 to vector<16xi32>
    %add3A_23 = arith.addi %mul3A_11, %add3A_22 : vector<16xi32>
    %shift_right_arithmetic3A_24 = arith.constant 8 : i32
    %shift_right_arithmetic3A_25 = vector.broadcast %shift_right_arithmetic3A_24 : i32 to vector<16xi32>
    %shift_right_arithmetic3A_26 = arith.shrsi %get3A_4, %shift_right_arithmetic3A_25 : vector<16xi32>
    %add3A_27 = arith.addi %add3A_23, %shift_right_arithmetic3A_26 : vector<16xi32>
    %swap3A_28 = arith.constant 32 : index
    %swap3A_29 = tpu.vector_load %arg7[%swap3A_28] {strides = array<i32>} : memref<96xi32, #tpu.memory_space<vmem>>, vector<16xi32>,
    %swap3A_30 = vector.shape_cast %swap3A_29 : vector<16xi32> to vector<16xi32>
    %swap3A_31 = vector.shape_cast %add3A_27 : vector<16xi32> to vector<16xi32>
    tpu.vector_store %arg7[%swap3A_28], %swap3A_31 {strides = array<i32>} : memref<96xi32, #tpu.memory_space<vmem>>, vector<16xi32>,
    %swap3A_32 = arith.constant 64 : index
    %swap3A_33 = tpu.vector_load %arg7[%swap3A_32] {strides = array<i32>} : memref<96xi32, #tpu.memory_space<vmem>>, vector<16xi32>,
    %swap3A_34 = vector.shape_cast %swap3A_33 : vector<16xi32> to vector<16xi32>
    %swap3A_35 = vector.shape_cast %mul3A_11 : vector<16xi32> to vector<16xi32>
    tpu.vector_store %arg7[%swap3A_32], %swap3A_35 {strides = array<i32>} : memref<96xi32, #tpu.memory_space<vmem>>, vector<16xi32>,
    %and3A = arith.constant 15 : i32
    %and3A_36 = vector.broadcast %and3A : i32 to vector<16xi32>
    %and3A_37 = arith.andi %get3A_4, %and3A_36 : vector<16xi32>
    %swap3A_38 = arith.constant 0 : index
    %swap3A_39 = tpu.vector_load %arg9[%swap3A_38] {strides = array<i32>} : memref<96xi32, #tpu.memory_space<vmem>>, vector<16xi32>,
    %swap3A_40 = vector.shape_cast %swap3A_39 : vector<16xi32> to vector<16xi32>
    %swap3A_41 = vector.shape_cast %and3A_37 : vector<16xi32> to vector<16xi32>
    tpu.vector_store %arg9[%swap3A_38], %swap3A_41 {strides = array<i32>} : memref<96xi32, #tpu.memory_space<vmem>>, vector<16xi32>,
    %shift_right_arithmetic3A_42 = arith.constant 4 : i32
    %shift_right_arithmetic3A_43 = vector.broadcast %shift_right_arithmetic3A_42 : i32 to vector<16xi32>
    %shift_right_arithmetic3A_44 = arith.shrsi %get3A_4, %shift_right_arithmetic3A_43 : vector<16xi32>
    %and3A_45 = arith.constant 15 : i32
    %and3A_46 = vector.broadcast %and3A_45 : i32 to vector<16xi32>
    %and3A_47 = arith.andi %shift_right_arithmetic3A_44, %and3A_46 : vector<16xi32>
    %swap3A_48 = arith.constant 32 : index
    %swap3A_49 = tpu.vector_load %arg9[%swap3A_48] {strides = array<i32>} : memref<96xi32, #tpu.memory_space<vmem>>, vector<16xi32>,
    %swap3A_50 = vector.shape_cast %swap3A_49 : vector<16xi32> to vector<16xi32>
    %swap3A_51 = vector.shape_cast %and3A_47 : vector<16xi32> to vector<16xi32>
    tpu.vector_store %arg9[%swap3A_48], %swap3A_51 {strides = array<i32>} : memref<96xi32, #tpu.memory_space<vmem>>, vector<16xi32>,
    %shift_right_arithmetic3A_52 = arith.constant 8 : i32
    %shift_right_arithmetic3A_53 = vector.broadcast %shift_right_arithmetic3A_52 : i32 to vector<16xi32>
    %shift_right_arithmetic3A_54 = arith.shrsi %get3A_4, %shift_right_arithmetic3A_53 : vector<16xi32>
    %swap3A_55 = arith.constant 64 : index
    %swap3A_56 = tpu.vector_load %arg9[%swap3A_55] {strides = array<i32>} : memref<96xi32, #tpu.memory_space<vmem>>, vector<16xi32>,
    %swap3A_57 = vector.shape_cast %swap3A_56 : vector<16xi32> to vector<16xi32>
    %swap3A_58 = vector.shape_cast %shift_right_arithmetic3A_54 : vector<16xi32> to vector<16xi32>
    tpu.vector_store %arg9[%swap3A_55], %swap3A_58 {strides = array<i32>} : memref<96xi32, #tpu.memory_space<vmem>>, vector<16xi32>,
    %get3A_59 = arith.constant 16 : index
    %get3A_60 = tpu.vector_load %arg6[%get3A_59] {strides = array<i32>} : memref<32xi32, #tpu.memory_space<vmem>>, vector<16xi32>,
    %get3A_61 = vector.shape_cast %get3A_60 : vector<16xi32> to vector<16xi32>
    %add3A_62 = arith.constant 16 : i32
    %add3A_63 = arith.addi %mul3A_2, %add3A_62 : i32
    %add3A_64 = vector.broadcast %add3A_63 : i32 to vector<16xi32>
    %add3A_65 = arith.addi %add3A_64, %iota3A : vector<16xi32>
    %mul3A_66 = arith.constant 273 : i32
    %mul3A_67 = vector.broadcast %mul3A_66 : i32 to vector<16xi32>
    %mul3A_68 = arith.muli %add3A_65, %mul3A_67 : vector<16xi32>
    %add3A_69 = arith.constant 17 : i32
    %add3A_70 = vector.broadcast %add3A_69 : i32 to vector<16xi32>
    %add3A_71 = arith.addi %mul3A_68, %add3A_70 : vector<16xi32>
    %shift_right_arithmetic3A_72 = arith.constant 4 : i32
    %shift_right_arithmetic3A_73 = vector.broadcast %shift_right_arithmetic3A_72 : i32 to vector<16xi32>
    %shift_right_arithmetic3A_74 = arith.shrsi %get3A_61, %shift_right_arithmetic3A_73 : vector<16xi32>
    %add3A_75 = arith.addi %add3A_71, %shift_right_arithmetic3A_74 : vector<16xi32>
    %swap3A_76 = arith.constant 16 : index
    %swap3A_77 = tpu.vector_load %arg7[%swap3A_76] {strides = array<i32>} : memref<96xi32, #tpu.memory_space<vmem>>, vector<16xi32>,
    %swap3A_78 = vector.shape_cast %swap3A_77 : vector<16xi32> to vector<16xi32>
    %swap3A_79 = vector.shape_cast %add3A_75 : vector<16xi32> to vector<16xi32>
    tpu.vector_store %arg7[%swap3A_76], %swap3A_79 {strides = array<i32>} : memref<96xi32, #tpu.memory_space<vmem>>, vector<16xi32>,
    %add3A_80 = arith.constant 1 : i32
    %add3A_81 = vector.broadcast %add3A_80 : i32 to vector<16xi32>
    %add3A_82 = arith.addi %mul3A_68, %add3A_81 : vector<16xi32>
    %shift_right_arithmetic3A_83 = arith.constant 8 : i32
    %shift_right_arithmetic3A_84 = vector.broadcast %shift_right_arithmetic3A_83 : i32 to vector<16xi32>
    %shift_right_arithmetic3A_85 = arith.shrsi %get3A_61, %shift_right_arithmetic3A_84 : vector<16xi32>
    %add3A_86 = arith.addi %add3A_82, %shift_right_arithmetic3A_85 : vector<16xi32>
    %swap3A_87 = arith.constant 48 : index
    %swap3A_88 = tpu.vector_load %arg7[%swap3A_87] {strides = array<i32>} : memref<96xi32, #tpu.memory_space<vmem>>, vector<16xi32>,
    %swap3A_89 = vector.shape_cast %swap3A_88 : vector<16xi32> to vector<16xi32>
    %swap3A_90 = vector.shape_cast %add3A_86 : vector<16xi32> to vector<16xi32>
    tpu.vector_store %arg7[%swap3A_87], %swap3A_90 {strides = array<i32>} : memref<96xi32, #tpu.memory_space<vmem>>, vector<16xi32>,
    %swap3A_91 = arith.constant 80 : index
    %swap3A_92 = tpu.vector_load %arg7[%swap3A_91] {strides = array<i32>} : memref<96xi32, #tpu.memory_space<vmem>>, vector<16xi32>,
    %swap3A_93 = vector.shape_cast %swap3A_92 : vector<16xi32> to vector<16xi32>
    %swap3A_94 = vector.shape_cast %mul3A_68 : vector<16xi32> to vector<16xi32>
    tpu.vector_store %arg7[%swap3A_91], %swap3A_94 {strides = array<i32>} : memref<96xi32, #tpu.memory_space<vmem>>, vector<16xi32>,
    %and3A_95 = arith.constant 15 : i32
    %and3A_96 = vector.broadcast %and3A_95 : i32 to vector<16xi32>
    %and3A_97 = arith.andi %get3A_61, %and3A_96 : vector<16xi32>
    %swap3A_98 = arith.constant 16 : index
    %swap3A_99 = tpu.vector_load %arg9[%swap3A_98] {strides = array<i32>} : memref<96xi32, #tpu.memory_space<vmem>>, vector<16xi32>,
    %swap3A_100 = vector.shape_cast %swap3A_99 : vector<16xi32> to vector<16xi32>
    %swap3A_101 = vector.shape_cast %and3A_97 : vector<16xi32> to vector<16xi32>
    tpu.vector_store %arg9[%swap3A_98], %swap3A_101 {strides = array<i32>} : memref<96xi32, #tpu.memory_space<vmem>>, vector<16xi32>,
    %shift_right_arithmetic3A_102 = arith.constant 4 : i32
    %shift_right_arithmetic3A_103 = vector.broadcast %shift_right_arithmetic3A_102 : i32 to vector<16xi32>
    %shift_right_arithmetic3A_104 = arith.shrsi %get3A_61, %shift_right_arithmetic3A_103 : vector<16xi32>
    %and3A_105 = arith.constant 15 : i32
    %and3A_106 = vector.broadcast %and3A_105 : i32 to vector<16xi32>
    %and3A_107 = arith.andi %shift_right_arithmetic3A_104, %and3A_106 : vector<16xi32>
    %swap3A_108 = arith.constant 48 : index
    %swap3A_109 = tpu.vector_load %arg9[%swap3A_108] {strides = array<i32>} : memref<96xi32, #tpu.memory_space<vmem>>, vector<16xi32>,
    %swap3A_110 = vector.shape_cast %swap3A_109 : vector<16xi32> to vector<16xi32>
    %swap3A_111 = vector.shape_cast %and3A_107 : vector<16xi32> to vector<16xi32>
    tpu.vector_store %arg9[%swap3A_108], %swap3A_111 {strides = array<i32>} : memref<96xi32, #tpu.memory_space<vmem>>, vector<16xi32>,
    %shift_right_arithmetic3A_112 = arith.constant 8 : i32
    %shift_right_arithmetic3A_113 = vector.broadcast %shift_right_arithmetic3A_112 : i32 to vector<16xi32>
    %shift_right_arithmetic3A_114 = arith.shrsi %get3A_61, %shift_right_arithmetic3A_113 : vector<16xi32>
    %swap3A_115 = arith.constant 80 : index
    %swap3A_116 = tpu.vector_load %arg9[%swap3A_115] {strides = array<i32>} : memref<96xi32, #tpu.memory_space<vmem>>, vector<16xi32>,
    %swap3A_117 = vector.shape_cast %swap3A_116 : vector<16xi32> to vector<16xi32>
    %swap3A_118 = vector.shape_cast %shift_right_arithmetic3A_114 : vector<16xi32> to vector<16xi32>
    tpu.vector_store %arg9[%swap3A_115], %swap3A_118 {strides = array<i32>} : memref<96xi32, #tpu.memory_space<vmem>>, vector<16xi32>,
    %dma_start3A = arith.constant 0 : i32
    %dma_start3A_119 = arith.constant 0 : i32
    %dma_start3A_120 = tpu.memref_slice %arg2[%dma_start3A, %dma_start3A_119] : memref<279552x16xf32, #tpu.memory_space<hbm>> -> memref<279552x16xf32, #tpu.memory_space<hbm>>
    tpu.enqueue_indirect_dma source(%dma_start3A_120 : memref<279552x16xf32, #tpu.memory_space<hbm>>) target(%arg8 : memref<96x16xf32, #tpu.memory_space<vmem>>) offsets(%arg7 : memref<96xi32, #tpu.memory_space<vmem>>) semaphore(%arg10 : memref<!tpu.dma_semaphore, #tpu.memory_space<semaphore_mem>>)
    %dma_wait3A = arith.constant 0 : i32
    %dma_wait3A_121 = arith.constant 0 : i32
    %dma_wait3A_122 = tpu.memref_slice %arg2[%dma_wait3A, %dma_wait3A_121] : memref<279552x16xf32, #tpu.memory_space<hbm>> -> memref<279552x16xf32, #tpu.memory_space<hbm>>
    tpu.wait_indirect_dma semaphore(%arg10 : memref<!tpu.dma_semaphore, #tpu.memory_space<semaphore_mem>>) src(%dma_wait3A_122 : memref<279552x16xf32, #tpu.memory_space<hbm>>) dst(%arg8 : memref<96x16xf32, #tpu.memory_space<vmem>>)
    "tpu.region"() ({
      %run_scoped3A = tpu.sem_alloc : memref<!tpu.dma_semaphore, #tpu.memory_space<semaphore_mem>>
      %dma_start3A_123 = arith.constant 0 : i32
      %dma_start3A_124 = arith.constant 0 : i32
      %dma_start3A_125 = tpu.memref_slice %arg4[%add3A, %dma_start3A_123, %dma_start3A_124] : memref<32x96x16xf32, #tpu.memory_space<hbm>> -> memref<1x96x16xf32, #tpu.memory_space<hbm>>
      %dma_start3A_126 = tpu.memref_squeeze %dma_start3A_125 : memref<1x96x16xf32, #tpu.memory_space<hbm>> -> memref<96x16xf32, #tpu.memory_space<hbm>>
      %dma_start3A_127 = arith.constant 0 : i32
      %dma_start3A_128 = arith.constant 0 : i32
      %dma_start3A_129 = tpu.memref_slice %arg4[%add3A, %dma_start3A_127, %dma_start3A_128] : memref<32x96x16xf32, #tpu.memory_space<hbm>> -> memref<1x96x16xf32, #tpu.memory_space<hbm>>
      %dma_start3A_130 = tpu.memref_squeeze %dma_start3A_129 : memref<1x96x16xf32, #tpu.memory_space<hbm>> -> memref<96x16xf32, #tpu.memory_space<hbm>>
      tpu.enqueue_dma source(%arg8 : memref<96x16xf32, #tpu.memory_space<vmem>>) target(%dma_start3A_130 : memref<96x16xf32, #tpu.memory_space<hbm>>) target_semaphore(%run_scoped3A : memref<!tpu.dma_semaphore, #tpu.memory_space<semaphore_mem>>)
      %dma_wait3A_131 = arith.constant 0 : i32
      %dma_wait3A_132 = arith.constant 0 : i32
      %dma_wait3A_133 = tpu.memref_slice %arg4[%add3A, %dma_wait3A_131, %dma_wait3A_132] : memref<32x96x16xf32, #tpu.memory_space<hbm>> -> memref<1x96x16xf32, #tpu.memory_space<hbm>>
      %dma_wait3A_134 = tpu.memref_squeeze %dma_wait3A_133 : memref<1x96x16xf32, #tpu.memory_space<hbm>> -> memref<96x16xf32, #tpu.memory_space<hbm>>
      %dma_wait3A_135 = arith.constant 0 : i32
      %dma_wait3A_136 = arith.constant 0 : i32
      %dma_wait3A_137 = tpu.memref_slice %arg4[%add3A, %dma_wait3A_135, %dma_wait3A_136] : memref<32x96x16xf32, #tpu.memory_space<hbm>> -> memref<1x96x16xf32, #tpu.memory_space<hbm>>
      %dma_wait3A_138 = tpu.memref_squeeze %dma_wait3A_137 : memref<1x96x16xf32, #tpu.memory_space<hbm>> -> memref<96x16xf32, #tpu.memory_space<hbm>>
      tpu.wait_dma2 semaphore(%run_scoped3A : memref<!tpu.dma_semaphore, #tpu.memory_space<semaphore_mem>>) src(%arg8 : memref<96x16xf32, #tpu.memory_space<vmem>>) dst(%dma_wait3A_138 : memref<96x16xf32, #tpu.memory_space<hbm>>)
      tpu.yield
    }) : () -> ()
    "tpu.region"() ({
      %run_scoped3A = tpu.sem_alloc : memref<!tpu.dma_semaphore, #tpu.memory_space<semaphore_mem>>
      %dma_start3A_123 = arith.constant 0 : i32
      %dma_start3A_124 = tpu.memref_slice %arg5[%add3A, %dma_start3A_123] : memref<32x96xi32, #tpu.memory_space<hbm>> -> memref<1x96xi32, #tpu.memory_space<hbm>>
      %dma_start3A_125 = tpu.memref_squeeze %dma_start3A_124 : memref<1x96xi32, #tpu.memory_space<hbm>> -> memref<96xi32, #tpu.memory_space<hbm>>
      %dma_start3A_126 = arith.constant 0 : i32
      %dma_start3A_127 = tpu.memref_slice %arg5[%add3A, %dma_start3A_126] : memref<32x96xi32, #tpu.memory_space<hbm>> -> memref<1x96xi32, #tpu.memory_space<hbm>>
      %dma_start3A_128 = tpu.memref_squeeze %dma_start3A_127 : memref<1x96xi32, #tpu.memory_space<hbm>> -> memref<96xi32, #tpu.memory_space<hbm>>
      tpu.enqueue_dma source(%arg9 : memref<96xi32, #tpu.memory_space<vmem>>) target(%dma_start3A_128 : memref<96xi32, #tpu.memory_space<hbm>>) target_semaphore(%run_scoped3A : memref<!tpu.dma_semaphore, #tpu.memory_space<semaphore_mem>>)
      %dma_wait3A_129 = arith.constant 0 : i32
      %dma_wait3A_130 = tpu.memref_slice %arg5[%add3A, %dma_wait3A_129] : memref<32x96xi32, #tpu.memory_space<hbm>> -> memref<1x96xi32, #tpu.memory_space<hbm>>
      %dma_wait3A_131 = tpu.memref_squeeze %dma_wait3A_130 : memref<1x96xi32, #tpu.memory_space<hbm>> -> memref<96xi32, #tpu.memory_space<hbm>>
      %dma_wait3A_132 = arith.constant 0 : i32
      %dma_wait3A_133 = tpu.memref_slice %arg5[%add3A, %dma_wait3A_132] : memref<32x96xi32, #tpu.memory_space<hbm>> -> memref<1x96xi32, #tpu.memory_space<hbm>>
      %dma_wait3A_134 = tpu.memref_squeeze %dma_wait3A_133 : memref<1x96xi32, #tpu.memory_space<hbm>> -> memref<96xi32, #tpu.memory_space<hbm>>
      tpu.wait_dma2 semaphore(%run_scoped3A : memref<!tpu.dma_semaphore, #tpu.memory_space<semaphore_mem>>) src(%arg9 : memref<96xi32, #tpu.memory_space<vmem>>) dst(%dma_wait3A_134 : memref<96xi32, #tpu.memory_space<hbm>>)
      tpu.yield
    }) : () -> ()
    return
  }
}

module attributes {stable_mosaic.version = 14 : i64} {
  func.func @_tc_body(%arg0: memref<3072x16xf32, #tpu.memory_space<vmem>>, %arg1: memref<3072x1xi32, #tpu.memory_space<vmem>>, %arg2: memref<1x1xf32, #tpu.memory_space<smem>>) attributes {dimension_semantics = [], scalar_prefetch = 0 : i64, scratch_operands = 0 : i64, tpu.core_type = #tpu.core_type<tc>} {
    %get3A = arith.constant 0 : index
    %get3A_0 = arith.constant 0 : index
    %get3A_1 = vector.load %arg0[%get3A, %get3A_0] : memref<3072x16xf32, #tpu.memory_space<vmem>>, vector<3072x16xf32>
    %reduce_max3A = arith.constant dense<0xFF800000> : vector<3072xf32>
    %reduce_max3A_2 = vector.multi_reduction <maximumf>, %get3A_1, %reduce_max3A [1] : vector<3072x16xf32> to vector<3072xf32>
    %broadcast_in_dim3A = vector.shape_cast %reduce_max3A_2 : vector<3072xf32> to vector<3072x1xf32>
    %sub3A = vector.broadcast %broadcast_in_dim3A : vector<3072x1xf32> to vector<3072x16xf32>
    %sub3A_3 = arith.subf %get3A_1, %sub3A : vector<3072x16xf32>
    %exp3A = math.exp %sub3A_3 : vector<3072x16xf32>
    %reduce_sum3A = arith.constant dense<0.000000e+00> : vector<3072xf32>
    %reduce_sum3A_4 = vector.multi_reduction <add>, %exp3A, %reduce_sum3A [1] : vector<3072x16xf32> to vector<3072xf32>
    %broadcast_in_dim3A_5 = vector.shape_cast %reduce_sum3A_4 : vector<3072xf32> to vector<3072x1xf32>
    %log3A = math.log %broadcast_in_dim3A_5 : vector<3072x1xf32>
    %add3A = arith.addf %log3A, %broadcast_in_dim3A : vector<3072x1xf32>
    %reduce_sum3A_6 = vector.shape_cast %add3A : vector<3072x1xf32> to vector<1x3072x1xf32>
    %reduce_sum3A_7 = arith.constant dense<0.000000e+00> : vector<1xf32>
    %reduce_sum3A_8 = vector.multi_reduction <add>, %reduce_sum3A_6, %reduce_sum3A_7 [1, 2] : vector<1x3072x1xf32> to vector<1xf32>
    %reduce_sum3A_9 = vector.shape_cast %reduce_sum3A_8 : vector<1xf32> to vector<1x1x1xf32>
    %reduce_sum3A_10 = vector.extract %reduce_sum3A_9[0, 0, 0] : f32 from vector<1x1x1xf32>
    %iota3A = tpu.iota {dimensions = array<i32: 1>} : vector<3072x16xi32>
    %get3A_11 = arith.constant 0 : index
    %get3A_12 = arith.constant 0 : index
    %get3A_13 = vector.load %arg1[%get3A_11, %get3A_12] : memref<3072x1xi32, #tpu.memory_space<vmem>>, vector<3072x1xi32>
    %eq3A = vector.broadcast %get3A_13 : vector<3072x1xi32> to vector<3072x16xi32>
    %eq3A_14 = arith.cmpi eq, %iota3A, %eq3A : vector<3072x16xi32>
    %jit3A = arith.constant 0.000000e+00 : f32
    %broadcast_in_dim3A_15 = vector.broadcast %jit3A : f32 to vector<3072x16xf32>
    %select_n3A = arith.select %eq3A_14, %get3A_1, %broadcast_in_dim3A_15 : vector<3072x16xi1>, vector<3072x16xf32>
    %reduce_sum3A_16 = vector.shape_cast %select_n3A : vector<3072x16xf32> to vector<1x3072x16xf32>
    %reduce_sum3A_17 = arith.constant dense<0.000000e+00> : vector<1xf32>
    %reduce_sum3A_18 = vector.multi_reduction <add>, %reduce_sum3A_16, %reduce_sum3A_17 [1, 2] : vector<1x3072x16xf32> to vector<1xf32>
    %reduce_sum3A_19 = vector.shape_cast %reduce_sum3A_18 : vector<1xf32> to vector<1x1x1xf32>
    %reduce_sum3A_20 = vector.extract %reduce_sum3A_19[0, 0, 0] : f32 from vector<1x1x1xf32>
    %sub3A_21 = arith.subf %reduce_sum3A_10, %reduce_sum3A_20 : f32
    %mul3A = arith.constant 9.765625E-4 : f32
    %mul3A_22 = arith.mulf %sub3A_21, %mul3A : f32
    %swap3A = arith.constant 0 : index
    %swap3A_23 = arith.constant 0 : index
    %swap3A_24 = memref.load %arg2[%swap3A, %swap3A_23] : memref<1x1xf32, #tpu.memory_space<smem>>
    memref.store %mul3A_22, %arg2[%swap3A, %swap3A_23] : memref<1x1xf32, #tpu.memory_space<smem>>
    return
  }
}

</mosaic_0001>

<sc_bundles>
// kernel: kernel.4.cloned.1.call-start
scs
__scs_entry_jumppad:
0x0: {  	(pc) =	sbr.rel $0x88, $3  }
0x1: {  	(tag) =	ssettag $0x0;
	lr =	simm.s32 $0x1  }
0x2: {  	[smem:$0x3F9F] =	sst lr;
	_ =	strace $0xD0000000  }
0x3: {  	_ = 	snop  }
0x4: {  	_ = 	snop  }
0x5: {  	_ = 	snop  }
0x6: {  	_ = 	snop  }
0x7: {  	_ = 	snop  }
__scs_overlays_trampoline_lowered:
0x8: {  	[smem:$0x3FAE] =	sst s0  }
0x9: {  	[smem:$0x3FAF] =	sst s1  }
0xa: {  	[smem:$0x3FB0] =	sst s2  }
0xb: {  	[smem:$0x3FB1] =	sst s3  }
0xc: {  	[smem:$0x3FB2] =	sst s4  }
0xd: {  	[smem:$0x3FB3] =	sst s5  }
0xe: {  	[smem:$0x3FB4] =	sst s6  }
0xf: {  	[smem:$0x3FB5] =	sst s7  }
0x10: {  	[smem:$0x3FB6] =	sst s8  }
0x11: {  	[smem:$0x3FB7] =	sst s9;
	s0 =	simm.s32 @!p0 $0x0  }
0x12: {  	s1 =	sld [smem:$0x3F9D];
	s0 =	simm.s32 @p0 $0x1  }
0x13: {  	[smem:$0x3FB8] =	sst s0;
	s0 =	simm.s32 @!p1 $0x0  }
0x14: {  	s2 =	sld [smem:$0x3F9C];
	s0 =	simm.s32 @p1 $0x1  }
0x15: {  	[smem:$0x3FB9] =	sst s0;
	s0 =	simm.s32 @!p2 $0x0  }
0x16: {  	s3 =	sld [smem:$0x3FDB];
	s0 =	simm.s32 @p2 $0x1  }
0x17: {  	s4 =	simm.s32 $0x1BF5;
	[smem:$0x3FBB] =	sst s0  }
0x18: {  	s0 =	sld [smem:$0x3F9E];
	_ =	swait.ge [sflag:s4], $0x0  }
0x19: {  	s7 =	sld [smem:$0x3F9F]  }
0x1a: {  	s8 =	sadd.s32 $0xFFFFE003, lr  }
0x1b: {  	s9 =	sadd.s32 $0xFFFFFEF7, lr;
	s5 =	simm.s32 $0xFFFFFFFF;
	p2 =	slt.u32 s8, $0xFFFFF086  }
0x1c: {  	p1 =	slt.u32 s9, $0xF7A;
	s5 =	simm.s32 @!p2 $0x0  }
0x1d: {  	s5 =	simm.s32 @p1 $0x1;
	p0 =	seq.s32 s7, s2  }
0x1e: {  	s7 =	smul.u32 @!p0 $0xF7A, s2;
	p2 =	seq.s32 @!p0 s5, $0x0  }
0x1f: {  	s9 =	smul.u32 $0xF7A, s1;
	s8 =	simm.s32 @!p0 $0x1BF5;
	p2 =	por !p2, p0  }
0x20: {  	[sflag:s8] =	ssyncset.s32 @!p0 $0xFFFFF086;
	s6 =	sadd.s32 @!p0 s3, s7;
	s7 =	simm.s32 @!p0 $0x108  }
0x21: {  	s3 =	sadd.s32 s3, s9;
	s6 =	sadd.s32 @!p0 $0x88, s6;
	s7 =	simm.s32 @p2 $0x1082  }
0x22: {  	[simem:s7], [sflag:s8] =	dma.local @!p0 [hbm:s6], $0xF7A  }
0x23: {  	s9 =	sor.u32 $0xD0000000, s2;
	s6 =	simm.s32 $0x108;
	_ =	swait.ge @!p0 [sflag:s8], $0x0  }
0x24: {  	s3 =	sadd.s32 $0x88, s3;
	s6 =	simm.s32 @!p1 $0x1082;
	[sflag:s4] =	ssyncset.s32 $0xFFFFF086  }
0x25: {  	[simem:s6], [sflag:s4] =	dma.local [hbm:s3], $0xF7A  }
0x26: {  	[smem:$0x3F9F] =	sst s1;
	(tag) =	ssettag s2;
	_ =	strace s9  }
0x27: {  	s1 =	sld [smem:$0x3FAF]  }
0x28: {  	s2 =	sld [smem:$0x3FB0]  }
0x29: {  	s4 =	sld [smem:$0x3FB2]  }
0x2a: {  	p0 =	seq.s32 s5, $0x0;
	s5 =	sld [smem:$0x3FB3]  }
0x2b: {  	s6 =	sld [smem:$0x3FB4]  }
0x2c: {  	s7 =	sld [smem:$0x3FB5]  }
0x2d: {  	s3 =	simm.s32 $0x108;
	s8 =	sld [smem:$0x3FB6]  }
0x2e: {  	s3 =	simm.s32 @!p0 $0x1082;
	s9 =	sld [smem:$0x3FB7]  }
0x2f: {  	lr =	sadd.s32 s0, s3;
	s0 =	sld [smem:$0x3FAE]  }
0x30: {  	s3 =	sld [smem:$0x3FB1]  }
0x31: {  	[smem:$0x3FBA] =	sst s10  }
0x32: {  	s10 =	sld [smem:$0x3FB8];
	_ =	sdelay $0x3  }
0x33: {  	p0 =	seq.s32 s10, $0x1;
	s10 =	sld [smem:$0x3FBA];
	_ =	sdelay $0x3  }
0x34: {  	[smem:$0x3FBA] =	sst s10  }
0x35: {  	s10 =	sld [smem:$0x3FB9];
	_ =	sdelay $0x3  }
0x36: {  	p1 =	seq.s32 s10, $0x1;
	s10 =	sld [smem:$0x3FBA];
	_ =	sdelay $0x3  }
0x37: {  	[smem:$0x3FBA] =	sst s10  }
0x38: {  	s10 =	sld [smem:$0x3FBB]  }
0x39: {  	_ = 	snop;
	(pc) =	sbr.ind lr, $3  }
0x3a: {  	_ = 	snop  }
0x3b: {  	_ = 	snop  }
0x3c: {  	p2 =	seq.s32 s10, $0x1;
	s10 =	sld [smem:$0x3FBA]  }
0x3d: {  	_ =	shalt  }
0x3e: {  	_ =	shalt  }
0x3f: {  	_ =	shalt  }
0x40: {  	_ =	shalt  }
0x41: {  	_ =	shalt  }
0x42: {  	_ =	shalt  }
0x43: {  	_ =	shalt  }
0x44: {  	_ =	shalt  }
0x45: {  	_ =	shalt  }
0x46: {  	_ =	shalt  }
0x47: {  	_ =	shalt  }
0x48: {  	_ =	shalt  }
0x49: {  	_ =	shalt  }
0x4a: {  	_ =	shalt  }
0x4b: {  	_ =	shalt  }
0x4c: {  	_ =	shalt  }
0x4d: {  	_ =	shalt  }
0x4e: {  	_ =	shalt  }
0x4f: {  	_ =	shalt  }
0x50: {  	_ =	shalt  }
0x51: {  	_ =	shalt  }
0x52: {  	_ =	shalt  }
0x53: {  	_ =	shalt  }
0x54: {  	_ =	shalt  }
0x55: {  	_ =	shalt  }
0x56: {  	_ =	shalt  }
0x57: {  	_ =	shalt  }
0x58: {  	_ =	shalt  }
0x59: {  	_ =	shalt  }
0x5a: {  	_ =	shalt  }
0x5b: {  	_ =	shalt  }
0x5c: {  	_ =	shalt  }
0x5d: {  	_ =	shalt  }
0x5e: {  	_ =	shalt  }
0x5f: {  	_ =	shalt  }
0x60: {  	_ =	shalt  }
0x61: {  	_ =	shalt  }
0x62: {  	_ =	shalt  }
0x63: {  	_ =	shalt  }
0x64: {  	_ =	shalt  }
0x65: {  	_ =	shalt  }
0x66: {  	_ =	shalt  }
0x67: {  	_ =	shalt  }
0x68: {  	_ =	shalt  }
0x69: {  	_ =	shalt  }
0x6a: {  	_ =	shalt  }
0x6b: {  	_ =	shalt  }
0x6c: {  	_ =	shalt  }
0x6d: {  	_ =	shalt  }
0x6e: {  	_ =	shalt  }
0x6f: {  	_ =	shalt  }
0x70: {  	_ =	shalt  }
0x71: {  	_ =	shalt  }
0x72: {  	_ =	shalt  }
0x73: {  	_ =	shalt  }
0x74: {  	_ =	shalt  }
0x75: {  	_ =	shalt  }
0x76: {  	_ =	shalt  }
0x77: {  	_ =	shalt  }
0x78: {  	_ =	shalt  }
0x79: {  	_ =	shalt  }
0x7a: {  	_ =	shalt  }
0x7b: {  	_ =	shalt  }
0x7c: {  	_ =	shalt  }
0x7d: {  	_ =	shalt  }
0x7e: {  	_ =	shalt  }
0x7f: {  	_ =	shalt  }
0x80: {  	_ =	shalt  }
0x81: {  	_ =	shalt  }
0x82: {  	_ =	shalt  }
0x83: {  	_ =	shalt  }
0x84: {  	_ =	shalt  }
0x85: {  	_ =	shalt  }
0x86: {  	_ =	shalt  }
0x87: {  	_ =	shalt  }
.Lfunc_end0:
.L_simem_size_0:
called_computation_lowered:
.L_overlay_start_0:
0x88: {  	s2 =	sld [smem:$0x3FD9]  }
0x89: {  	s3 =	sld [smem:$0x3FFE];
	_ =	sdelay $0x1  }
0x8a: {  	s1 =	srdreg.scid  }
0x8b: {  	s0 =	sand.u32 $0x1, s1  }
0x8c: {  	s17 =	sshll.u32 s0, $0xA;
	s2 =	sadd.s32 s3, s2  }
0x8d: {  	s2 =	sadd.s32 s2, s17  }
0x8e: {  	[smem:$0x3FC6] =	sst s2  }
0x8f: {  	_ = 	snop  }
0x90: {  	s2 =	sld [smem:$0x3FC8];
	(tm) =	ssettm $0x1  }
0x91: {  	s18 =	sld [smem:$0x3FFB];
	_ =	sdelay $0x3  }
0x92: {  	_ =	strace s18  }
0x93: {  	s3 =	sld [smem:$0x3FFC];
	_ =	sdelay $0x3  }
0x94: {  	_ =	strace s3  }
0x95: {  	s3 =	sld [smem:$0x3FFD];
	_ =	sdelay $0x3  }
0x96: {  	_ =	strace s3  }
0x97: {  	_ =	strace $0x8FFFFFFF  }
0x98: {  	s19 =	sld [smem:$0x3FDB];
	_ =	sdelay $0x1  }
0x99: {  	s4 =	simm.s32 $_scs_section_size  }
0x9a: {  	s5 =	simm.s32 $_size__tile_overlayer_lowered;
	s6 =	simm.s32 $_tile_overlayer_lowered  }
0x9b: {  	s22 =	simm.s32 $0x1BFF;
	s21 =	sshll.u32 s6, $0x1;
	s3 =	sadd.s32 s4, s19  }
0x9c: {  	s7 =	simm.s32 $0x0;
	s20 =	sshll.u32 s5, $0x1;
	s5 =	sadd.s32 s21, s3  }
0x9d: {  	[timem:s7], [sflag:s22] =	dma.local [hbm:s5], s20  }
0x9e: {  	_ =	swait.ge [sflag:s22], s20  }
0x9f: {  	s4 =	ssub.s32 $0x0, s20;
	[sflag:s22] =	ssyncset.done $0x0  }
0xa0: {  	[sflag:s22] =	ssyncadd.s32 s4;
	_ =	sdelay $0x1  }
0xa1: {  	s23 =	simm.s32 $0x1B8B  }
0xa2: {  	_ =	swait.ge [sflag:s23], $0x1  }
0xa3: {  	[sflag:s23] =	ssyncset.done $0x0  }
0xa4: {  	s25 =	simm.s32 $0x1B8E;
	s24 =	sld [smem:$0x3FFE];
	[sflag:s23] =	ssyncadd.s32 $0xFFFFFFFF  }
0xa5: {  	s26 =	simm.s32 $execute0_lowered;
	[smem:$0x3FD2] =	sst s25  }
0xa6: {  	s5 =	sshll.u32 s26, $0x1;
	_ =	strace $0x80000046;
	[dreg:$0x1] =	wrdreg $0xFFFFFFFF  }
0xa7: {  	s28 =	simm.s32 $_size_execute0_lowered;
	s3 =	sadd.s32 s3, s5;
	[dreg:$0x0] =	wrdreg $0x0  }
0xa8: {  	s5 =	sshll.u32 s28, $0x1;
	[dreg:$0x2] =	wrdreg s3  }
0xa9: {  	[dreg:$0x3] =	wrdreg s5  }
0xaa: {  	[dreg:$0x4] =	wrdreg $0xC0  }
0xab: {  	_ =	task [dreg:s7], $0x5FFFF  }
0xac: {  	[dreg:$0x1] =	wrdreg $0xFFFFFFFF  }
0xad: {  	[dreg:$0x0] =	wrdreg $0x60  }
0xae: {  	[dreg:$0x2] =	wrdreg s24  }
0xaf: {  	[dreg:$0x3] =	wrdreg s2  }
0xb0: {  	[dreg:$0x4] =	wrdreg $0x9  }
0xb1: {  	_ =	task.clear_ibuf [dreg:s7], $0x5FFFF;
	_ =	strace $0x90000046  }
0xb2: {  	s29 =	simm.s32 $0x9;
	_ =	strace $0x80000048  }
0xb3: {  	_ =	swait.ge [sflag:s29], $0x1  }
0xb4: {  	[sflag:s29] =	ssyncadd.s32 $0xFFFFFFFF  }
0xb5: {  	_ =	strace $0x90000048  }
0xb6: {  	_ =	sfence  }
0xb7: {  	s30 =	sld [smem:$0x0];
	_ =	sdelay $0x2  }
0xb8: {  	s31 =	sshll.u32 s1, $0xD;
	s1 =	sshrl.u32 s1, $0x2  }
0xb9: {  	s3 =	sand.u32 $0x4000, s31;
	s1 =	sadd.s32 s1, s30  }
0xba: {  	s0 =	sor.u32 s3, s0;
	s1 =	sshll.u32 s1, $0x11  }
0xbb: {  	s0 =	sor.u32 s1, s0  }
0xbc: {  	s0 =	sadd.s32 $0x8F2B, s0  }
0xbd: {  	[sflag:s0] =	ssyncadd.remote.s32 $0x1  }
0xbe: {  	_ =	sfence.sel $0xFFFF  }
0xbf: {  	[dreg:$0x0] =	wrdreg $0xFFFFFFFF;
	(pc) =	sbr.abs _section_cstart, $3  }
0xc0: {  	[dreg:$0x1] =	wrdreg $0xFFFFFFFF  }
0xc1: {  	_ =	task.clear_ibuf [dreg:s7], $0x2FFFF;
	_ =	strace $0x9FFFFFFF  }
0xc2: {  	(tm) =	ssettm $0x7FFFFFFF  }
0xc3: {  	_ =	shalt  }
tec
execute0_lowered:
.L_overlay_start_1:
0x0: {  	(tag) =	ssettag $0x1  }
0x1: {  	s6 =	rddreg [dreg:$0x0]  }
0x2: {  	s1 =	srdreg.scid;
	s0 =	stileid.u32  }
0x3: {  	s3 =	rddreg [dreg:$0x1];
	s5 =	sand.u32 $0x1, s1;
	s4 =	sshll.u32 s0, $0x1  }
0x4: {  	s2 =	simm.s32 $0x0;
	s1 =	rddreg [dreg:$0x2];
	s7 =	sor.u32 s5, s4  }
0x5: {  	[smem:$0x7FF] =	sst s2;
	s4 =	sshll.u32 s7, $0x2  }
0x6: {  	_ =	strace $0x80000047;
	s4 =	sadd.s32 s3, s4;
	s3 =	simm.s32 $0x2  }
0x7: {  	[tilespmem:s2], [sflag:$0x2] =	stream.linear.gather [hbm4b:s4+s2], $0x20, $0x38;
	[tilespmem:$0x6E0] =	vst v63  }
0x8: {  	s8 =	sshll.u32 s7, $0x5;
	_ =	swait.ge [sflag:s3], $0x20  }
0x9: {  	v0 =	vmov s8;
	s8 =	sor.u32 $0x10, s8;
	[sflag:s3] =	ssyncset.done $0x0  }
0xa: {  	v0 =	vmul.u32 $0x111, v0;
	v1 =	vmov s8;
	[sflag:s3] =	ssyncadd.s32 $0xFFFFFFE0  }
0xb: {  	v2 =	vlaneseq.u32;
	v1 =	vmul.u32 $0x111, v1;
	v3 =	vld [tilespmem:$0x0]  }
0xc: {  	v5 =	vmul.u32 $0x111, v2;
	v4 =	vbroadcast v0, $0x0  }
0xd: {  	v6 =	vbroadcast v1, $0x0;
	v8 =	vld [tilespmem:$0x10]  }
0xe: {  	v0 =	vadd.s32 v5, v4  }
0xf: {  	v1 =	vadd.s32 v5, v6;
	[tilespmem:$0x60] =	vst v0  }
0x10: {  	[tilespmem:$0x70] =	vst v1;
	v9 =	vand.u32 $0xF, v3  }
0x11: {  	v7 =	vadd.s32 $0x11, v5;
	v11 =	vshra.s32 v3, $0x8;
	[tilespmem:$0x680] =	vst v9  }
0x12: {  	v2 =	vadd.s32 v7, v4;
	v62 =	vshra.s32 v8, $0x8;
	[tilespmem:$0x6C0] =	vst v11  }
0x13: {  	v10 =	vshra.s32 v3, $0x4;
	v63 =	vshra.s32 v8, $0x4;
	v8 =	vand.u32 $0xF, v8;
	[tilespmem:$0x6D0] =	vst v62  }
0x14: {  	s9 =	ssub.s32 $0x2, s5;
	v5 =	vadd.s32 $0x1, v5;
	v60 =	vadd.s32 v10, v2;
	[tilespmem:$0x690] =	vst v8  }
0x15: {  	s10 =	sshrl.u32 s9, $0x1;
	v3 =	vadd.s32 v5, v4;
	v4 =	vand.u32 $0xF, v10;
	[tilespmem:$0x20] =	vst v60  }
0x16: {  	s31 =	ssub.s32 s9, s10;
	v61 =	vadd.s32 v11, v3;
	[tilespmem:$0x6A0] =	vst v4  }
0x17: {  	s11 =	simm.s32 $0x1;
	s30 =	smul.u32 $0xC0, s7;
	s13 =	smax.u32 s31, $0x1;
	[tilespmem:$0x40] =	vst v61;
	v4 =	vadd.s32 v7, v6;
	v7 =	vand.u32 $0xF, v63  }
0x18: {  	s5 =	sadd.s32 $0x800, s6;
	s7 =	smul.u32 $0xC, s7;
	p0 =	sne.s32 s13, $0x1;
	v5 =	vadd.s32 v5, v6;
	v6 =	vadd.s32 v63, v4;
	[tilespmem:$0x6B0] =	vst v7  }
.Ltmp0:
0x19: {  	s10 =	simm.s32 $0x20;
	s9 =	simm.s32 $0x80;
	v7 =	vadd.s32 v62, v5;
	[tilespmem:$0x30] =	vst v6;
	(pc) =	sbr.rel @!p0 .LBB2_2-.Ltmp0, $4  }
0x1a: {  	s8 =	sadd.s32 s30, s6;
	s12 =	sadd.s32 s7, s6;
	s7 =	simm.s32 $0x60;
	[tilespmem:$0x50] =	vst v7  }
0x1b: {  	[tilespmem:s9], [sflag:$0x1] =	stream.indirect.gather [hbm4b:s5+s7], $0x10, s10, s7, $0xb8;
	[tilespmem:$0x6E0] =	vst v63  }
0x1c: {  	s6 =	sadd.s32 $0x89000, s8;
	s8 =	sadd.s32 $0x8A800, s12;
	_ =	swait.ge [sflag:s11], $0x600  }
0x1d: {  	s12 =	simm.s32 $0x680;
	s13 =	sadd.s32 $0xFFFFFFFF, s13;
	[sflag:s11] =	ssyncset.done $0x0  }
.LBB2_1:
0x1e: {  	p0 =	sne.s32 s13, $0x1;
	s13 =	sadd.s32 $0xFFFFFFFF, s13;
	[sflag:s11] =	ssyncadd.s32 $0xFFFFFA00  }
0x1f: {  	[hbm4b:s6+s2] =	stream.linear.scatter [tilespmem:s9], [sflag:$0x2], $0x600, $0x38;
	[tilespmem:$0x6E0] =	vst v63  }
0x20: {  	_ =	swait.ge [sflag:s3], $0x600  }
0x21: {  	[sflag:s3] =	ssyncset.done $0x0  }
0x22: {  	[sflag:s3] =	ssyncadd.s32 $0xFFFFFA00  }
0x23: {  	[hbm4b:s8+s2] =	stream.linear.scatter [tilespmem:s12], [sflag:$0x2], $0x60, $0x38;
	[tilespmem:$0x6E0] =	vst v63  }
0x24: {  	_ =	swait.ge [sflag:s3], $0x60  }
0x25: {  	[sflag:s3] =	ssyncset.done $0x0  }
0x26: {  	[sflag:s3] =	ssyncadd.s32 $0xFFFFFFA0  }
0x27: {  	[tilespmem:s2], [sflag:$0x2] =	stream.linear.gather [hbm4b:s4+s2], $0x20, $0x38;
	[tilespmem:$0x6E0] =	vst v63  }
0x28: {  	_ =	swait.ge [sflag:s3], $0x20  }
0x29: {  	[sflag:s3] =	ssyncset.done $0x0  }
0x2a: {  	[sflag:s3] =	ssyncadd.s32 $0xFFFFFFE0  }
0x2b: {  	v6 =	vld [tilespmem:$0x0];
	[tilespmem:$0x60] =	vst v0  }
0x2c: {  	v7 =	vld [tilespmem:$0x10];
	[tilespmem:$0x70] =	vst v1;
	_ =	sdelay $0x3  }
0x2d: {  	v8 =	vshra.s32 v6, $0x4;
	v9 =	vshra.s32 v6, $0x8;
	v6 =	vand.u32 $0xF, v6  }
0x2e: {  	v10 =	vadd.s32 v8, v2;
	v11 =	vadd.s32 v9, v3;
	[tilespmem:$0x680] =	vst v6;
	v6 =	vand.u32 $0xF, v8  }
0x2f: {  	v8 =	vshra.s32 v7, $0x4;
	[tilespmem:$0x6C0] =	vst v9;
	v9 =	vshra.s32 v7, $0x8;
	v7 =	vand.u32 $0xF, v7  }
0x30: {  	[tilespmem:$0x20] =	vst v10;
	v10 =	vadd.s32 v8, v4;
	v12 =	vadd.s32 v9, v5;
	v8 =	vand.u32 $0xF, v8  }
0x31: {  	[tilespmem:$0x6A0] =	vst v6  }
0x32: {  	[tilespmem:$0x40] =	vst v11  }
0x33: {  	[tilespmem:$0x6D0] =	vst v9  }
0x34: {  	[tilespmem:$0x690] =	vst v7  }
0x35: {  	[tilespmem:$0x6B0] =	vst v8  }
.Ltmp1:
0x36: {  	[tilespmem:$0x30] =	vst v10;
	(pc) =	sbr.rel @p0 .LBB2_1-.Ltmp1, $4  }
0x37: {  	[tilespmem:$0x50] =	vst v12  }
0x38: {  	[tilespmem:s9], [sflag:$0x1] =	stream.indirect.gather [hbm4b:s5+s7], $0x10, s10, s7, $0xb8;
	[tilespmem:$0x6E0] =	vst v63  }
0x39: {  	_ =	swait.ge [sflag:s11], $0x600  }
0x3a: {  	[sflag:s11] =	ssyncset.done $0x0  }
.LBB2_2:
0x3b: {  	[sflag:s11] =	ssyncadd.s32 $0xFFFFFA00  }
0x3c: {  	[hbm4b:s6+s2] =	stream.linear.scatter [tilespmem:s9], [sflag:$0x2], $0x600, $0x38;
	[tilespmem:$0x6E0] =	vst v63  }
0x3d: {  	_ =	swait.ge [sflag:s3], $0x600  }
0x3e: {  	[sflag:s3] =	ssyncset.done $0x0  }
0x3f: {  	[sflag:s3] =	ssyncadd.s32 $0xFFFFFA00  }
0x40: {  	[hbm4b:s8+s2] =	stream.linear.scatter [tilespmem:s12], [sflag:$0x2], $0x60, $0x38;
	[tilespmem:$0x6E0] =	vst v63  }
0x41: {  	_ =	swait.ge [sflag:s3], $0x60  }
0x42: {  	[sflag:s3] =	ssyncset.done $0x0  }
0x43: {  	[sflag:s3] =	ssyncadd.s32 $0xFFFFFFA0  }
0x44: {  	_ =	sfence.sel $0x180000  }
0x45: {  	[bflag:$0x0] =	sbarrier.arrive $0xFFFF  }
0x46: {  	p0 =	sne.s32 s0, $0x0;
	_ =	strace $0x90000047  }
0x47: {  	s0 =	sadd.s32 @!p0 $0x100000, s1;
	[bflag:$0x2] =	sbarrier.arrive $0xFFFF  }
0x48: {  	[sflag:s0] =	ssyncadd.tile.s32 @!p0 $0x1;
	_ =	shalt  }
.Lfunc_end2:
_tile_overlayer_lowered:
.L_overlay_start_2:
0x49: {  	(tag) =	ssettag $0x2  }
0x4a: {  	s0 =	rddreg [dreg:$0x0];
	s2 =	stileid.u32  }
0x4b: {  	s1 =	rddreg [dreg:$0x1];
	p0 =	sne.s32 s2, $0x0  }
0x4c: {  	s3 =	rddreg [dreg:$0x2];
	[bflag:$0x3] =	sbarrier.arrive $0xFFFF;
	s2 =	simm.s32 @!p0 $0x1C02  }
0x4d: {  	[timem:s3], [sflag:s2] =	dma.local @!p0 [hbm:s0], s1  }
0x4e: {  	s0 =	simm.s32 @!p0 $0x2  }
0x4f: {  	_ =	swait.ge @!p0 [sflag:s0], s1  }
0x50: {  	s1 =	ssub.s32 @!p0 $0x0, s1;
	[sflag:s0] =	ssyncset.done @!p0 $0x0  }
0x51: {  	[sflag:s0] =	ssyncadd.s32 @!p0 s1  }
0x52: {  	[bflag:$0x3] =	sbarrier.arrive $0xFFFF  }
0x53: {  	_ =	shalt  }

</sc_bundles>
